<compile_context>
chip_gen: v7x
topology: tpu7x:2x2x1
jax: 0.10.2.dev20260603
libtpu: 0.0.44.dev20260713+nightly
codegen_flags: <defaults>
</compile_context>

<pallas_src>
import functools

import jax
import jax.numpy as jnp
from jax import lax
from jax.experimental import pallas as pl
from jax.experimental.pallas import tpu as pltpu
from jax.experimental.pallas import tpu_sc as plsc

VOCAB = 100000
D = 128
B = 4096
H = 50
NC, NS = 2, 16
NW = NC * NS
BW = B // NW
K = 2
NG = H // K
NBUF = 3 * K


def _sc_gather(table, idx_t):
    mesh = plsc.VectorSubcoreMesh(core_axis_name="c", subcore_axis_name="s")

    @functools.partial(
        pl.kernel,
        out_type=jax.ShapeDtypeStruct((H, B, D), jnp.float32),
        mesh=mesh,
        scratch_types=[
            pltpu.VMEM((H, BW), jnp.int32),
            pltpu.VMEM((NBUF, BW, D), jnp.float32),
            pltpu.SemaphoreType.DMA,
            pltpu.SemaphoreType.DMA,
        ],
    )
    def k(table_hbm, idx_hbm, out_hbm, idx_v, rows_v, gsem, osem):
        wid = lax.axis_index("s") * NC + lax.axis_index("c")
        row0 = wid * BW

        pltpu.sync_copy(idx_hbm.at[:, wid], idx_v)

        def gather(h, s):
            return pltpu.make_async_copy(
                table_hbm.at[idx_v.at[h]], rows_v.at[s], gsem)

        def writeback(h, s):
            return pltpu.make_async_copy(
                rows_v.at[s], out_hbm.at[h, pl.ds(row0, BW)], osem)

        for j in range(K):
            gather(j, j).start()

        def body(g, carry):
            s = (g % 3) * K
            t = ((g + 1) % 3) * K

            @pl.when(g >= 2)
            def _():
                for j in range(K):
                    writeback((g - 2) * K + j, t + j).wait()

            @pl.when(g + 1 < NG)
            def _():
                for j in range(K):
                    gather((g + 1) * K + j, t + j).start()

            for j in range(K):
                gather(g * K + j, s + j).wait()
            for j in range(K):
                writeback(g * K + j, s + j).start()
            return carry

        lax.fori_loop(0, NG, body, 0)

        for gg in (NG - 2, NG - 1):
            for j in range(K):
                writeback(gg * K + j, (gg % 3) * K + j).wait()

    return k(table, idx_t)


def kernel(table, indices):
    idx_t = indices.astype(jnp.int32).T.reshape(H, NW, BW)
    idx_t = jnp.where((idx_t >= 0) & (idx_t < VOCAB), idx_t, VOCAB)
    out = _sc_gather(table, idx_t)
    return out.transpose(1, 0, 2)

# --- scband reference (transcript-rebuilt; emitter-appended) ---
"""Pipeline reference for scband-vectors-5866925326759 (READ-ONLY COPY).

The authoritative reference and input builder live on the scoring server;
editing this copy changes nothing except your own understanding.
"""

import jax, jax.numpy as jnp
import numpy as np

VOCAB = 100000
EMBED_DIM = 128
BATCH = 4096
HIST_LEN = 50


def setup_inputs(seed: int = 0) -> dict:
    key = jax.random.key(seed)
    k_table, k_idx = jax.random.split(key)
    # The torch Vectors class stores a vector per token plus an unk vector for
    # out-of-vocabulary lookups. We model the string->row_id map as int indices
    # and the per-token vectors as a [VOCAB, EMBED_DIM] table with the unk
    # vector (zeros, matching the torch default) appended as the final row.
    vectors = jax.random.normal(k_table, (VOCAB, EMBED_DIM), dtype=jnp.float32)
    unk = jnp.zeros((1, EMBED_DIM), dtype=jnp.float32)
    table = jnp.concatenate([vectors, unk], axis=0)  # [VOCAB + 1, EMBED_DIM]
    indices = jax.random.randint(k_idx, (BATCH, HIST_LEN), 0, VOCAB, dtype=jnp.int64)
    return {"table": table, "indices": indices}


def reference(table, indices):
    # Faithful translation of Vectors.__getitem__ applied to a batch of tokens:
    # known tokens gather their stored vector; unknown tokens (out of range)
    # gather the unk vector stored at the last row of the table.
    vocab = table.shape[0] - 1
    unk_row = vocab
    safe_idx = jnp.where((indices >= 0) & (indices < vocab), indices, unk_row)
    out = jnp.take(table, safe_idx, axis=0)  # [BATCH, HIST_LEN, EMBED_DIM]
    return out

if __name__ == "__main__":
    import jax
    _d = setup_inputs()
    print(jax.jit(kernel)(*tuple(_d.values())))

</pallas_src>

<mosaic_0001>
#map = affine_map<(d0, d1) -> (0, 0)>
#map1 = affine_map<(d0, d1) -> (0, 0, 0)>
module attributes {stable_mosaic.version = 14 : i64} {
  func.func @k(%arg0: i32, %arg1: i32, %arg2: memref<100001x128xf32, #tpu.memory_space<hbm>>, %arg3: memref<50x32x128xi32, #tpu.memory_space<hbm>>, %arg4: memref<50x4096x128xf32, #tpu.memory_space<hbm>>, %arg5: memref<50x128xi32, #tpu.memory_space<vmem>>, %arg6: memref<6x128x128xf32, #tpu.memory_space<vmem>>, %arg7: memref<!tpu.dma_semaphore, #tpu.memory_space<semaphore_mem>>, %arg8: memref<!tpu.dma_semaphore, #tpu.memory_space<semaphore_mem>>) attributes {dimension_semantics = [#tpu.dimension_semantics<core_parallel>, #tpu.dimension_semantics<subcore_parallel>], iteration_bounds = array<i64: 2, 16>, scalar_prefetch = 0 : i64, scratch_operands = 4 : i64, tpu.core_type = #tpu.core_type<sc_vector_subcore>, window_params = [{transform_indices = #map}, {transform_indices = #map1}, {transform_indices = #map1}]} {
    %mul3A = arith.constant 2 : i32
    %mul3A_0 = arith.muli %arg1, %mul3A : i32
    %add3A = arith.addi %mul3A_0, %arg0 : i32
    %mul3A_1 = arith.constant 128 : i32
    %mul3A_2 = arith.muli %add3A, %mul3A_1 : i32
    "tpu.region"() ({
      %run_scoped3A = tpu.sem_alloc : memref<!tpu.dma_semaphore, #tpu.memory_space<semaphore_mem>>
      %dma_start3A_94 = arith.constant 0 : i32
      %dma_start3A_95 = arith.constant 0 : i32
      %dma_start3A_96 = tpu.memref_slice %arg3[%dma_start3A_94, %add3A, %dma_start3A_95] : memref<50x32x128xi32, #tpu.memory_space<hbm>> -> memref<50x1x128xi32, #tpu.memory_space<hbm>>
      %dma_start3A_97 = tpu.memref_squeeze %dma_start3A_96 : memref<50x1x128xi32, #tpu.memory_space<hbm>> -> memref<50x128xi32, #tpu.memory_space<hbm>>
      %dma_start3A_98 = arith.constant 0 : i32
      %dma_start3A_99 = arith.constant 0 : i32
      %dma_start3A_100 = tpu.memref_slice %arg3[%dma_start3A_98, %add3A, %dma_start3A_99] : memref<50x32x128xi32, #tpu.memory_space<hbm>> -> memref<50x1x128xi32, #tpu.memory_space<hbm>>
      %dma_start3A_101 = tpu.memref_squeeze %dma_start3A_100 : memref<50x1x128xi32, #tpu.memory_space<hbm>> -> memref<50x128xi32, #tpu.memory_space<hbm>>
      tpu.enqueue_dma source(%dma_start3A_101 : memref<50x128xi32, #tpu.memory_space<hbm>>) target(%arg5 : memref<50x128xi32, #tpu.memory_space<vmem>>) target_semaphore(%run_scoped3A : memref<!tpu.dma_semaphore, #tpu.memory_space<semaphore_mem>>)
      %dma_wait3A_102 = arith.constant 0 : i32
      %dma_wait3A_103 = arith.constant 0 : i32
      %dma_wait3A_104 = tpu.memref_slice %arg3[%dma_wait3A_102, %add3A, %dma_wait3A_103] : memref<50x32x128xi32, #tpu.memory_space<hbm>> -> memref<50x1x128xi32, #tpu.memory_space<hbm>>
      %dma_wait3A_105 = tpu.memref_squeeze %dma_wait3A_104 : memref<50x1x128xi32, #tpu.memory_space<hbm>> -> memref<50x128xi32, #tpu.memory_space<hbm>>
      %dma_wait3A_106 = arith.constant 0 : i32
      %dma_wait3A_107 = arith.constant 0 : i32
      %dma_wait3A_108 = tpu.memref_slice %arg3[%dma_wait3A_106, %add3A, %dma_wait3A_107] : memref<50x32x128xi32, #tpu.memory_space<hbm>> -> memref<50x1x128xi32, #tpu.memory_space<hbm>>
      %dma_wait3A_109 = tpu.memref_squeeze %dma_wait3A_108 : memref<50x1x128xi32, #tpu.memory_space<hbm>> -> memref<50x128xi32, #tpu.memory_space<hbm>>
      tpu.wait_dma2 semaphore(%run_scoped3A : memref<!tpu.dma_semaphore, #tpu.memory_space<semaphore_mem>>) src(%dma_wait3A_109 : memref<50x128xi32, #tpu.memory_space<hbm>>) dst(%arg5 : memref<50x128xi32, #tpu.memory_space<vmem>>)
      tpu.yield
    }) : () -> ()
    %dma_start3A = arith.constant 0 : i32
    %dma_start3A_3 = arith.constant 0 : i32
    %dma_start3A_4 = arith.constant 0 : i32
    %dma_start3A_5 = arith.constant 0 : i32
    %dma_start3A_6 = tpu.memref_slice %arg6[%dma_start3A_3, %dma_start3A_4, %dma_start3A_5] : memref<6x128x128xf32, #tpu.memory_space<vmem>> -> memref<1x128x128xf32, #tpu.memory_space<vmem>>
    %dma_start3A_7 = tpu.memref_squeeze %dma_start3A_6 : memref<1x128x128xf32, #tpu.memory_space<vmem>> -> memref<128x128xf32, #tpu.memory_space<vmem>>
    %dma_start3A_8 = arith.constant 0 : i32
    %dma_start3A_9 = tpu.memref_slice %arg5[%dma_start3A, %dma_start3A_8] : memref<50x128xi32, #tpu.memory_space<vmem>> -> memref<1x128xi32, #tpu.memory_space<vmem>>
    %dma_start3A_10 = tpu.memref_squeeze %dma_start3A_9 : memref<1x128xi32, #tpu.memory_space<vmem>> -> memref<128xi32, #tpu.memory_space<vmem>>
    %dma_start3A_11 = arith.constant 0 : i32
    %dma_start3A_12 = arith.constant 0 : i32
    %dma_start3A_13 = tpu.memref_slice %arg2[%dma_start3A_11, %dma_start3A_12] : memref<100001x128xf32, #tpu.memory_space<hbm>> -> memref<100001x128xf32, #tpu.memory_space<hbm>>
    tpu.enqueue_indirect_dma source(%dma_start3A_13 : memref<100001x128xf32, #tpu.memory_space<hbm>>) target(%dma_start3A_7 : memref<128x128xf32, #tpu.memory_space<vmem>>) offsets(%dma_start3A_10 : memref<128xi32, #tpu.memory_space<vmem>>) semaphore(%arg7 : memref<!tpu.dma_semaphore, #tpu.memory_space<semaphore_mem>>)
    %dma_start3A_14 = arith.constant 1 : i32
    %dma_start3A_15 = arith.constant 1 : i32
    %dma_start3A_16 = arith.constant 0 : i32
    %dma_start3A_17 = arith.constant 0 : i32
    %dma_start3A_18 = tpu.memref_slice %arg6[%dma_start3A_15, %dma_start3A_16, %dma_start3A_17] : memref<6x128x128xf32, #tpu.memory_space<vmem>> -> memref<1x128x128xf32, #tpu.memory_space<vmem>>
    %dma_start3A_19 = tpu.memref_squeeze %dma_start3A_18 : memref<1x128x128xf32, #tpu.memory_space<vmem>> -> memref<128x128xf32, #tpu.memory_space<vmem>>
    %dma_start3A_20 = arith.constant 0 : i32
    %dma_start3A_21 = tpu.memref_slice %arg5[%dma_start3A_14, %dma_start3A_20] : memref<50x128xi32, #tpu.memory_space<vmem>> -> memref<1x128xi32, #tpu.memory_space<vmem>>
    %dma_start3A_22 = tpu.memref_squeeze %dma_start3A_21 : memref<1x128xi32, #tpu.memory_space<vmem>> -> memref<128xi32, #tpu.memory_space<vmem>>
    %dma_start3A_23 = arith.constant 0 : i32
    %dma_start3A_24 = arith.constant 0 : i32
    %dma_start3A_25 = tpu.memref_slice %arg2[%dma_start3A_23, %dma_start3A_24] : memref<100001x128xf32, #tpu.memory_space<hbm>> -> memref<100001x128xf32, #tpu.memory_space<hbm>>
    tpu.enqueue_indirect_dma source(%dma_start3A_25 : memref<100001x128xf32, #tpu.memory_space<hbm>>) target(%dma_start3A_19 : memref<128x128xf32, #tpu.memory_space<vmem>>) offsets(%dma_start3A_22 : memref<128xi32, #tpu.memory_space<vmem>>) semaphore(%arg7 : memref<!tpu.dma_semaphore, #tpu.memory_space<semaphore_mem>>)
    %scan3A = arith.constant 0 : i32
    %scan3A_26 = arith.constant 0 : i32
    %scan3A_27 = arith.constant 25 : i32
    %scan3A_28 = arith.addi %scan3A_26, %scan3A_27 : i32
    %scan3A_29 = arith.constant 1 : i32
    scf.for %scan3A_94 = %scan3A_26 to %scan3A_28 step %scan3A_29  : i32 {
      %jit3A = arith.constant 3 : i32
      %eq3A = arith.constant 0 : i32
      %eq3A_95 = arith.cmpi eq, %jit3A, %eq3A : i32
      %jit3A_96 = arith.constant 1 : i32
      %select_n3A = arith.select %eq3A_95, %jit3A_96, %jit3A : i32
      %rem3A = arith.remsi %scan3A_94, %select_n3A : i32
      %ne3A = arith.constant 0 : i32
      %ne3A_97 = arith.cmpi ne, %rem3A, %ne3A : i32
      %lt3A = arith.constant 0 : i32
      %lt3A_98 = arith.cmpi slt, %rem3A, %lt3A : i32
      %lt3A_99 = arith.constant 0 : i32
      %lt3A_100 = arith.cmpi slt, %select_n3A, %lt3A_99 : i32
      %ne3A_101 = arith.xori %lt3A_98, %lt3A_100 : i1
      %and3A = arith.andi %ne3A_101, %ne3A_97 : i1
      %add3A_102 = arith.addi %rem3A, %select_n3A : i32
      %select_n3A_103 = arith.select %and3A, %add3A_102, %rem3A : i32
      %mul3A_104 = arith.constant 2 : i32
      %mul3A_105 = arith.muli %select_n3A_103, %mul3A_104 : i32
      %add3A_106 = arith.constant 1 : i32
      %add3A_107 = arith.addi %scan3A_94, %add3A_106 : i32
      %jit3A_108 = arith.constant 3 : i32
      %eq3A_109 = arith.constant 0 : i32
      %eq3A_110 = arith.cmpi eq, %jit3A_108, %eq3A_109 : i32
      %jit3A_111 = arith.constant 1 : i32
      %select_n3A_112 = arith.select %eq3A_110, %jit3A_111, %jit3A_108 : i32
      %rem3A_113 = arith.remsi %add3A_107, %select_n3A_112 : i32
      %ne3A_114 = arith.constant 0 : i32
      %ne3A_115 = arith.cmpi ne, %rem3A_113, %ne3A_114 : i32
      %lt3A_116 = arith.constant 0 : i32
      %lt3A_117 = arith.cmpi slt, %rem3A_113, %lt3A_116 : i32
      %lt3A_118 = arith.constant 0 : i32
      %lt3A_119 = arith.cmpi slt, %select_n3A_112, %lt3A_118 : i32
      %ne3A_120 = arith.xori %lt3A_117, %lt3A_119 : i1
      %and3A_121 = arith.andi %ne3A_120, %ne3A_115 : i1
      %add3A_122 = arith.addi %rem3A_113, %select_n3A_112 : i32
      %select_n3A_123 = arith.select %and3A_121, %add3A_122, %rem3A_113 : i32
      %mul3A_124 = arith.constant 2 : i32
      %mul3A_125 = arith.muli %select_n3A_123, %mul3A_124 : i32
      %ge3A = arith.constant 2 : i32
      %ge3A_126 = arith.cmpi sge, %scan3A_94, %ge3A : i32
      %convert_element_type3A = arith.extui %ge3A_126 : i1 to i32
      %cond3A = arith.constant 0 : i32
      %cond3A_127 = arith.cmpi ne, %convert_element_type3A, %cond3A : i32
      scf.if %cond3A_127 {
        %sub3A = arith.constant 2 : i32
        %sub3A_207 = arith.subi %scan3A_94, %sub3A : i32
        %mul3A_208 = arith.constant 2 : i32
        %mul3A_209 = arith.muli %sub3A_207, %mul3A_208 : i32
        %add3A_210 = arith.constant 0 : i32
        %add3A_211 = arith.addi %mul3A_209, %add3A_210 : i32
        %add3A_212 = arith.constant 0 : i32
        %add3A_213 = arith.addi %mul3A_125, %add3A_212 : i32
        %dma_wait3A_214 = arith.constant 0 : i32
        %dma_wait3A_215 = arith.constant 0 : i32
        %dma_wait3A_216 = tpu.memref_slice %arg6[%add3A_213, %dma_wait3A_214, %dma_wait3A_215] : memref<6x128x128xf32, #tpu.memory_space<vmem>> -> memref<1x128x128xf32, #tpu.memory_space<vmem>>
        %dma_wait3A_217 = tpu.memref_squeeze %dma_wait3A_216 : memref<1x128x128xf32, #tpu.memory_space<vmem>> -> memref<128x128xf32, #tpu.memory_space<vmem>>
        %dma_wait3A_218 = arith.constant 0 : i32
        %dma_wait3A_219 = tpu.memref_slice %arg4[%add3A_211, %mul3A_2, %dma_wait3A_218] : memref<50x4096x128xf32, #tpu.memory_space<hbm>> -> memref<1x128x128xf32, #tpu.memory_space<hbm>>
        %dma_wait3A_220 = tpu.memref_squeeze %dma_wait3A_219 : memref<1x128x128xf32, #tpu.memory_space<hbm>> -> memref<128x128xf32, #tpu.memory_space<hbm>>
        %dma_wait3A_221 = arith.constant 0 : i32
        %dma_wait3A_222 = tpu.memref_slice %arg4[%add3A_211, %mul3A_2, %dma_wait3A_221] : memref<50x4096x128xf32, #tpu.memory_space<hbm>> -> memref<1x128x128xf32, #tpu.memory_space<hbm>>
        %dma_wait3A_223 = tpu.memref_squeeze %dma_wait3A_222 : memref<1x128x128xf32, #tpu.memory_space<hbm>> -> memref<128x128xf32, #tpu.memory_space<hbm>>
        %dma_wait3A_224 = arith.constant 0 : i32
        %dma_wait3A_225 = arith.constant 0 : i32
        %dma_wait3A_226 = tpu.memref_slice %arg6[%add3A_213, %dma_wait3A_224, %dma_wait3A_225] : memref<6x128x128xf32, #tpu.memory_space<vmem>> -> memref<1x128x128xf32, #tpu.memory_space<vmem>>
        %dma_wait3A_227 = tpu.memref_squeeze %dma_wait3A_226 : memref<1x128x128xf32, #tpu.memory_space<vmem>> -> memref<128x128xf32, #tpu.memory_space<vmem>>
        tpu.wait_dma2 semaphore(%arg8 : memref<!tpu.dma_semaphore, #tpu.memory_space<semaphore_mem>>) src(%dma_wait3A_227 : memref<128x128xf32, #tpu.memory_space<vmem>>) dst(%dma_wait3A_223 : memref<128x128xf32, #tpu.memory_space<hbm>>)
        %sub3A_228 = arith.constant 2 : i32
        %sub3A_229 = arith.subi %scan3A_94, %sub3A_228 : i32
        %mul3A_230 = arith.constant 2 : i32
        %mul3A_231 = arith.muli %sub3A_229, %mul3A_230 : i32
        %add3A_232 = arith.constant 1 : i32
        %add3A_233 = arith.addi %mul3A_231, %add3A_232 : i32
        %add3A_234 = arith.constant 1 : i32
        %add3A_235 = arith.addi %mul3A_125, %add3A_234 : i32
        %dma_wait3A_236 = arith.constant 0 : i32
        %dma_wait3A_237 = arith.constant 0 : i32
        %dma_wait3A_238 = tpu.memref_slice %arg6[%add3A_235, %dma_wait3A_236, %dma_wait3A_237] : memref<6x128x128xf32, #tpu.memory_space<vmem>> -> memref<1x128x128xf32, #tpu.memory_space<vmem>>
        %dma_wait3A_239 = tpu.memref_squeeze %dma_wait3A_238 : memref<1x128x128xf32, #tpu.memory_space<vmem>> -> memref<128x128xf32, #tpu.memory_space<vmem>>
        %dma_wait3A_240 = arith.constant 0 : i32
        %dma_wait3A_241 = tpu.memref_slice %arg4[%add3A_233, %mul3A_2, %dma_wait3A_240] : memref<50x4096x128xf32, #tpu.memory_space<hbm>> -> memref<1x128x128xf32, #tpu.memory_space<hbm>>
        %dma_wait3A_242 = tpu.memref_squeeze %dma_wait3A_241 : memref<1x128x128xf32, #tpu.memory_space<hbm>> -> memref<128x128xf32, #tpu.memory_space<hbm>>
        %dma_wait3A_243 = arith.constant 0 : i32
        %dma_wait3A_244 = tpu.memref_slice %arg4[%add3A_233, %mul3A_2, %dma_wait3A_243] : memref<50x4096x128xf32, #tpu.memory_space<hbm>> -> memref<1x128x128xf32, #tpu.memory_space<hbm>>
        %dma_wait3A_245 = tpu.memref_squeeze %dma_wait3A_244 : memref<1x128x128xf32, #tpu.memory_space<hbm>> -> memref<128x128xf32, #tpu.memory_space<hbm>>
        %dma_wait3A_246 = arith.constant 0 : i32
        %dma_wait3A_247 = arith.constant 0 : i32
        %dma_wait3A_248 = tpu.memref_slice %arg6[%add3A_235, %dma_wait3A_246, %dma_wait3A_247] : memref<6x128x128xf32, #tpu.memory_space<vmem>> -> memref<1x128x128xf32, #tpu.memory_space<vmem>>
        %dma_wait3A_249 = tpu.memref_squeeze %dma_wait3A_248 : memref<1x128x128xf32, #tpu.memory_space<vmem>> -> memref<128x128xf32, #tpu.memory_space<vmem>>
        tpu.wait_dma2 semaphore(%arg8 : memref<!tpu.dma_semaphore, #tpu.memory_space<semaphore_mem>>) src(%dma_wait3A_249 : memref<128x128xf32, #tpu.memory_space<vmem>>) dst(%dma_wait3A_245 : memref<128x128xf32, #tpu.memory_space<hbm>>)
      } else {
      }
      %add3A_128 = arith.constant 1 : i32
      %add3A_129 = arith.addi %scan3A_94, %add3A_128 : i32
      %lt3A_130 = arith.constant 25 : i32
      %lt3A_131 = arith.cmpi slt, %add3A_129, %lt3A_130 : i32
      %convert_element_type3A_132 = arith.extui %lt3A_131 : i1 to i32
      %cond3A_133 = arith.constant 0 : i32
      %cond3A_134 = arith.cmpi ne, %convert_element_type3A_132, %cond3A_133 : i32
      scf.if %cond3A_134 {
        %add3A_207 = arith.constant 1 : i32
        %add3A_208 = arith.addi %scan3A_94, %add3A_207 : i32
        %mul3A_209 = arith.constant 2 : i32
        %mul3A_210 = arith.muli %add3A_208, %mul3A_209 : i32
        %add3A_211 = arith.constant 0 : i32
        %add3A_212 = arith.addi %mul3A_210, %add3A_211 : i32
        %add3A_213 = arith.constant 0 : i32
        %add3A_214 = arith.addi %mul3A_125, %add3A_213 : i32
        %dma_start3A_215 = arith.constant 0 : i32
        %dma_start3A_216 = arith.constant 0 : i32
        %dma_start3A_217 = tpu.memref_slice %arg6[%add3A_214, %dma_start3A_215, %dma_start3A_216] : memref<6x128x128xf32, #tpu.memory_space<vmem>> -> memref<1x128x128xf32, #tpu.memory_space<vmem>>
        %dma_start3A_218 = tpu.memref_squeeze %dma_start3A_217 : memref<1x128x128xf32, #tpu.memory_space<vmem>> -> memref<128x128xf32, #tpu.memory_space<vmem>>
        %dma_start3A_219 = arith.constant 0 : i32
        %dma_start3A_220 = tpu.memref_slice %arg5[%add3A_212, %dma_start3A_219] : memref<50x128xi32, #tpu.memory_space<vmem>> -> memref<1x128xi32, #tpu.memory_space<vmem>>
        %dma_start3A_221 = tpu.memref_squeeze %dma_start3A_220 : memref<1x128xi32, #tpu.memory_space<vmem>> -> memref<128xi32, #tpu.memory_space<vmem>>
        %dma_start3A_222 = arith.constant 0 : i32
        %dma_start3A_223 = arith.constant 0 : i32
        %dma_start3A_224 = tpu.memref_slice %arg2[%dma_start3A_222, %dma_start3A_223] : memref<100001x128xf32, #tpu.memory_space<hbm>> -> memref<100001x128xf32, #tpu.memory_space<hbm>>
        tpu.enqueue_indirect_dma source(%dma_start3A_224 : memref<100001x128xf32, #tpu.memory_space<hbm>>) target(%dma_start3A_218 : memref<128x128xf32, #tpu.memory_space<vmem>>) offsets(%dma_start3A_221 : memref<128xi32, #tpu.memory_space<vmem>>) semaphore(%arg7 : memref<!tpu.dma_semaphore, #tpu.memory_space<semaphore_mem>>)
        %add3A_225 = arith.constant 1 : i32
        %add3A_226 = arith.addi %scan3A_94, %add3A_225 : i32
        %mul3A_227 = arith.constant 2 : i32
        %mul3A_228 = arith.muli %add3A_226, %mul3A_227 : i32
        %add3A_229 = arith.constant 1 : i32
        %add3A_230 = arith.addi %mul3A_228, %add3A_229 : i32
        %add3A_231 = arith.constant 1 : i32
        %add3A_232 = arith.addi %mul3A_125, %add3A_231 : i32
        %dma_start3A_233 = arith.constant 0 : i32
        %dma_start3A_234 = arith.constant 0 : i32
        %dma_start3A_235 = tpu.memref_slice %arg6[%add3A_232, %dma_start3A_233, %dma_start3A_234] : memref<6x128x128xf32, #tpu.memory_space<vmem>> -> memref<1x128x128xf32, #tpu.memory_space<vmem>>
        %dma_start3A_236 = tpu.memref_squeeze %dma_start3A_235 : memref<1x128x128xf32, #tpu.memory_space<vmem>> -> memref<128x128xf32, #tpu.memory_space<vmem>>
        %dma_start3A_237 = arith.constant 0 : i32
        %dma_start3A_238 = tpu.memref_slice %arg5[%add3A_230, %dma_start3A_237] : memref<50x128xi32, #tpu.memory_space<vmem>> -> memref<1x128xi32, #tpu.memory_space<vmem>>
        %dma_start3A_239 = tpu.memref_squeeze %dma_start3A_238 : memref<1x128xi32, #tpu.memory_space<vmem>> -> memref<128xi32, #tpu.memory_space<vmem>>
        %dma_start3A_240 = arith.constant 0 : i32
        %dma_start3A_241 = arith.constant 0 : i32
        %dma_start3A_242 = tpu.memref_slice %arg2[%dma_start3A_240, %dma_start3A_241] : memref<100001x128xf32, #tpu.memory_space<hbm>> -> memref<100001x128xf32, #tpu.memory_space<hbm>>
        tpu.enqueue_indirect_dma source(%dma_start3A_242 : memref<100001x128xf32, #tpu.memory_space<hbm>>) target(%dma_start3A_236 : memref<128x128xf32, #tpu.memory_space<vmem>>) offsets(%dma_start3A_239 : memref<128xi32, #tpu.memory_space<vmem>>) semaphore(%arg7 : memref<!tpu.dma_semaphore, #tpu.memory_space<semaphore_mem>>)
      } else {
      }
      %mul3A_135 = arith.constant 2 : i32
      %mul3A_136 = arith.muli %scan3A_94, %mul3A_135 : i32
      %add3A_137 = arith.constant 0 : i32
      %add3A_138 = arith.addi %mul3A_136, %add3A_137 : i32
      %add3A_139 = arith.constant 0 : i32
      %add3A_140 = arith.addi %mul3A_105, %add3A_139 : i32
      %dma_wait3A_141 = arith.constant 0 : i32
      %dma_wait3A_142 = arith.constant 0 : i32
      %dma_wait3A_143 = tpu.memref_slice %arg6[%add3A_140, %dma_wait3A_141, %dma_wait3A_142] : memref<6x128x128xf32, #tpu.memory_space<vmem>> -> memref<1x128x128xf32, #tpu.memory_space<vmem>>
      %dma_wait3A_144 = tpu.memref_squeeze %dma_wait3A_143 : memref<1x128x128xf32, #tpu.memory_space<vmem>> -> memref<128x128xf32, #tpu.memory_space<vmem>>
      %dma_wait3A_145 = arith.constant 0 : i32
      %dma_wait3A_146 = tpu.memref_slice %arg5[%add3A_138, %dma_wait3A_145] : memref<50x128xi32, #tpu.memory_space<vmem>> -> memref<1x128xi32, #tpu.memory_space<vmem>>
      %dma_wait3A_147 = tpu.memref_squeeze %dma_wait3A_146 : memref<1x128xi32, #tpu.memory_space<vmem>> -> memref<128xi32, #tpu.memory_space<vmem>>
      %dma_wait3A_148 = arith.constant 0 : i32
      %dma_wait3A_149 = arith.constant 0 : i32
      %dma_wait3A_150 = tpu.memref_slice %arg2[%dma_wait3A_148, %dma_wait3A_149] : memref<100001x128xf32, #tpu.memory_space<hbm>> -> memref<100001x128xf32, #tpu.memory_space<hbm>>
      tpu.wait_indirect_dma semaphore(%arg7 : memref<!tpu.dma_semaphore, #tpu.memory_space<semaphore_mem>>) src(%dma_wait3A_150 : memref<100001x128xf32, #tpu.memory_space<hbm>>) dst(%dma_wait3A_144 : memref<128x128xf32, #tpu.memory_space<vmem>>)
      %mul3A_151 = arith.constant 2 : i32
      %mul3A_152 = arith.muli %scan3A_94, %mul3A_151 : i32
      %add3A_153 = arith.constant 1 : i32
      %add3A_154 = arith.addi %mul3A_152, %add3A_153 : i32
      %add3A_155 = arith.constant 1 : i32
      %add3A_156 = arith.addi %mul3A_105, %add3A_155 : i32
      %dma_wait3A_157 = arith.constant 0 : i32
      %dma_wait3A_158 = arith.constant 0 : i32
      %dma_wait3A_159 = tpu.memref_slice %arg6[%add3A_156, %dma_wait3A_157, %dma_wait3A_158] : memref<6x128x128xf32, #tpu.memory_space<vmem>> -> memref<1x128x128xf32, #tpu.memory_space<vmem>>
      %dma_wait3A_160 = tpu.memref_squeeze %dma_wait3A_159 : memref<1x128x128xf32, #tpu.memory_space<vmem>> -> memref<128x128xf32, #tpu.memory_space<vmem>>
      %dma_wait3A_161 = arith.constant 0 : i32
      %dma_wait3A_162 = tpu.memref_slice %arg5[%add3A_154, %dma_wait3A_161] : memref<50x128xi32, #tpu.memory_space<vmem>> -> memref<1x128xi32, #tpu.memory_space<vmem>>
      %dma_wait3A_163 = tpu.memref_squeeze %dma_wait3A_162 : memref<1x128xi32, #tpu.memory_space<vmem>> -> memref<128xi32, #tpu.memory_space<vmem>>
      %dma_wait3A_164 = arith.constant 0 : i32
      %dma_wait3A_165 = arith.constant 0 : i32
      %dma_wait3A_166 = tpu.memref_slice %arg2[%dma_wait3A_164, %dma_wait3A_165] : memref<100001x128xf32, #tpu.memory_space<hbm>> -> memref<100001x128xf32, #tpu.memory_space<hbm>>
      tpu.wait_indirect_dma semaphore(%arg7 : memref<!tpu.dma_semaphore, #tpu.memory_space<semaphore_mem>>) src(%dma_wait3A_166 : memref<100001x128xf32, #tpu.memory_space<hbm>>) dst(%dma_wait3A_160 : memref<128x128xf32, #tpu.memory_space<vmem>>)
      %mul3A_167 = arith.constant 2 : i32
      %mul3A_168 = arith.muli %scan3A_94, %mul3A_167 : i32
      %add3A_169 = arith.constant 0 : i32
      %add3A_170 = arith.addi %mul3A_168, %add3A_169 : i32
      %add3A_171 = arith.constant 0 : i32
      %add3A_172 = arith.addi %mul3A_105, %add3A_171 : i32
      %dma_start3A_173 = arith.constant 0 : i32
      %dma_start3A_174 = arith.constant 0 : i32
      %dma_start3A_175 = tpu.memref_slice %arg6[%add3A_172, %dma_start3A_173, %dma_start3A_174] : memref<6x128x128xf32, #tpu.memory_space<vmem>> -> memref<1x128x128xf32, #tpu.memory_space<vmem>>
      %dma_start3A_176 = tpu.memref_squeeze %dma_start3A_175 : memref<1x128x128xf32, #tpu.memory_space<vmem>> -> memref<128x128xf32, #tpu.memory_space<vmem>>
      %dma_start3A_177 = arith.constant 0 : i32
      %dma_start3A_178 = tpu.memref_slice %arg4[%add3A_170, %mul3A_2, %dma_start3A_177] : memref<50x4096x128xf32, #tpu.memory_space<hbm>> -> memref<1x128x128xf32, #tpu.memory_space<hbm>>
      %dma_start3A_179 = tpu.memref_squeeze %dma_start3A_178 : memref<1x128x128xf32, #tpu.memory_space<hbm>> -> memref<128x128xf32, #tpu.memory_space<hbm>>
      %dma_start3A_180 = arith.constant 0 : i32
      %dma_start3A_181 = tpu.memref_slice %arg4[%add3A_170, %mul3A_2, %dma_start3A_180] : memref<50x4096x128xf32, #tpu.memory_space<hbm>> -> memref<1x128x128xf32, #tpu.memory_space<hbm>>
      %dma_start3A_182 = tpu.memref_squeeze %dma_start3A_181 : memref<1x128x128xf32, #tpu.memory_space<hbm>> -> memref<128x128xf32, #tpu.memory_space<hbm>>
      %dma_start3A_183 = arith.constant 0 : i32
      %dma_start3A_184 = arith.constant 0 : i32
      %dma_start3A_185 = tpu.memref_slice %arg6[%add3A_172, %dma_start3A_183, %dma_start3A_184] : memref<6x128x128xf32, #tpu.memory_space<vmem>> -> memref<1x128x128xf32, #tpu.memory_space<vmem>>
      %dma_start3A_186 = tpu.memref_squeeze %dma_start3A_185 : memref<1x128x128xf32, #tpu.memory_space<vmem>> -> memref<128x128xf32, #tpu.memory_space<vmem>>
      tpu.enqueue_dma source(%dma_start3A_186 : memref<128x128xf32, #tpu.memory_space<vmem>>) target(%dma_start3A_182 : memref<128x128xf32, #tpu.memory_space<hbm>>) target_semaphore(%arg8 : memref<!tpu.dma_semaphore, #tpu.memory_space<semaphore_mem>>)
      %mul3A_187 = arith.constant 2 : i32
      %mul3A_188 = arith.muli %scan3A_94, %mul3A_187 : i32
      %add3A_189 = arith.constant 1 : i32
      %add3A_190 = arith.addi %mul3A_188, %add3A_189 : i32
      %add3A_191 = arith.constant 1 : i32
      %add3A_192 = arith.addi %mul3A_105, %add3A_191 : i32
      %dma_start3A_193 = arith.constant 0 : i32
      %dma_start3A_194 = arith.constant 0 : i32
      %dma_start3A_195 = tpu.memref_slice %arg6[%add3A_192, %dma_start3A_193, %dma_start3A_194] : memref<6x128x128xf32, #tpu.memory_space<vmem>> -> memref<1x128x128xf32, #tpu.memory_space<vmem>>
      %dma_start3A_196 = tpu.memref_squeeze %dma_start3A_195 : memref<1x128x128xf32, #tpu.memory_space<vmem>> -> memref<128x128xf32, #tpu.memory_space<vmem>>
      %dma_start3A_197 = arith.constant 0 : i32
      %dma_start3A_198 = tpu.memref_slice %arg4[%add3A_190, %mul3A_2, %dma_start3A_197] : memref<50x4096x128xf32, #tpu.memory_space<hbm>> -> memref<1x128x128xf32, #tpu.memory_space<hbm>>
      %dma_start3A_199 = tpu.memref_squeeze %dma_start3A_198 : memref<1x128x128xf32, #tpu.memory_space<hbm>> -> memref<128x128xf32, #tpu.memory_space<hbm>>
      %dma_start3A_200 = arith.constant 0 : i32
      %dma_start3A_201 = tpu.memref_slice %arg4[%add3A_190, %mul3A_2, %dma_start3A_200] : memref<50x4096x128xf32, #tpu.memory_space<hbm>> -> memref<1x128x128xf32, #tpu.memory_space<hbm>>
      %dma_start3A_202 = tpu.memref_squeeze %dma_start3A_201 : memref<1x128x128xf32, #tpu.memory_space<hbm>> -> memref<128x128xf32, #tpu.memory_space<hbm>>
      %dma_start3A_203 = arith.constant 0 : i32
      %dma_start3A_204 = arith.constant 0 : i32
      %dma_start3A_205 = tpu.memref_slice %arg6[%add3A_192, %dma_start3A_203, %dma_start3A_204] : memref<6x128x128xf32, #tpu.memory_space<vmem>> -> memref<1x128x128xf32, #tpu.memory_space<vmem>>
      %dma_start3A_206 = tpu.memref_squeeze %dma_start3A_205 : memref<1x128x128xf32, #tpu.memory_space<vmem>> -> memref<128x128xf32, #tpu.memory_space<vmem>>
      tpu.enqueue_dma source(%dma_start3A_206 : memref<128x128xf32, #tpu.memory_space<vmem>>) target(%dma_start3A_202 : memref<128x128xf32, #tpu.memory_space<hbm>>) target_semaphore(%arg8 : memref<!tpu.dma_semaphore, #tpu.memory_space<semaphore_mem>>)
    }
    %scan3A_30 = arith.constant 25 : i32
    %dma_wait3A = arith.constant 4 : i32
    %dma_wait3A_31 = arith.constant 46 : i32
    %dma_wait3A_32 = arith.constant 0 : i32
    %dma_wait3A_33 = arith.constant 0 : i32
    %dma_wait3A_34 = tpu.memref_slice %arg6[%dma_wait3A, %dma_wait3A_32, %dma_wait3A_33] : memref<6x128x128xf32, #tpu.memory_space<vmem>> -> memref<1x128x128xf32, #tpu.memory_space<vmem>>
    %dma_wait3A_35 = tpu.memref_squeeze %dma_wait3A_34 : memref<1x128x128xf32, #tpu.memory_space<vmem>> -> memref<128x128xf32, #tpu.memory_space<vmem>>
    %dma_wait3A_36 = arith.constant 0 : i32
    %dma_wait3A_37 = tpu.memref_slice %arg4[%dma_wait3A_31, %mul3A_2, %dma_wait3A_36] : memref<50x4096x128xf32, #tpu.memory_space<hbm>> -> memref<1x128x128xf32, #tpu.memory_space<hbm>>
    %dma_wait3A_38 = tpu.memref_squeeze %dma_wait3A_37 : memref<1x128x128xf32, #tpu.memory_space<hbm>> -> memref<128x128xf32, #tpu.memory_space<hbm>>
    %dma_wait3A_39 = arith.constant 0 : i32
    %dma_wait3A_40 = tpu.memref_slice %arg4[%dma_wait3A_31, %mul3A_2, %dma_wait3A_39] : memref<50x4096x128xf32, #tpu.memory_space<hbm>> -> memref<1x128x128xf32, #tpu.memory_space<hbm>>
    %dma_wait3A_41 = tpu.memref_squeeze %dma_wait3A_40 : memref<1x128x128xf32, #tpu.memory_space<hbm>> -> memref<128x128xf32, #tpu.memory_space<hbm>>
    %dma_wait3A_42 = arith.constant 0 : i32
    %dma_wait3A_43 = arith.constant 0 : i32
    %dma_wait3A_44 = tpu.memref_slice %arg6[%dma_wait3A, %dma_wait3A_42, %dma_wait3A_43] : memref<6x128x128xf32, #tpu.memory_space<vmem>> -> memref<1x128x128xf32, #tpu.memory_space<vmem>>
    %dma_wait3A_45 = tpu.memref_squeeze %dma_wait3A_44 : memref<1x128x128xf32, #tpu.memory_space<vmem>> -> memref<128x128xf32, #tpu.memory_space<vmem>>
    tpu.wait_dma2 semaphore(%arg8 : memref<!tpu.dma_semaphore, #tpu.memory_space<semaphore_mem>>) src(%dma_wait3A_45 : memref<128x128xf32, #tpu.memory_space<vmem>>) dst(%dma_wait3A_41 : memref<128x128xf32, #tpu.memory_space<hbm>>)
    %dma_wait3A_46 = arith.constant 5 : i32
    %dma_wait3A_47 = arith.constant 47 : i32
    %dma_wait3A_48 = arith.constant 0 : i32
    %dma_wait3A_49 = arith.constant 0 : i32
    %dma_wait3A_50 = tpu.memref_slice %arg6[%dma_wait3A_46, %dma_wait3A_48, %dma_wait3A_49] : memref<6x128x128xf32, #tpu.memory_space<vmem>> -> memref<1x128x128xf32, #tpu.memory_space<vmem>>
    %dma_wait3A_51 = tpu.memref_squeeze %dma_wait3A_50 : memref<1x128x128xf32, #tpu.memory_space<vmem>> -> memref<128x128xf32, #tpu.memory_space<vmem>>
    %dma_wait3A_52 = arith.constant 0 : i32
    %dma_wait3A_53 = tpu.memref_slice %arg4[%dma_wait3A_47, %mul3A_2, %dma_wait3A_52] : memref<50x4096x128xf32, #tpu.memory_space<hbm>> -> memref<1x128x128xf32, #tpu.memory_space<hbm>>
    %dma_wait3A_54 = tpu.memref_squeeze %dma_wait3A_53 : memref<1x128x128xf32, #tpu.memory_space<hbm>> -> memref<128x128xf32, #tpu.memory_space<hbm>>
    %dma_wait3A_55 = arith.constant 0 : i32
    %dma_wait3A_56 = tpu.memref_slice %arg4[%dma_wait3A_47, %mul3A_2, %dma_wait3A_55] : memref<50x4096x128xf32, #tpu.memory_space<hbm>> -> memref<1x128x128xf32, #tpu.memory_space<hbm>>
    %dma_wait3A_57 = tpu.memref_squeeze %dma_wait3A_56 : memref<1x128x128xf32, #tpu.memory_space<hbm>> -> memref<128x128xf32, #tpu.memory_space<hbm>>
    %dma_wait3A_58 = arith.constant 0 : i32
    %dma_wait3A_59 = arith.constant 0 : i32
    %dma_wait3A_60 = tpu.memref_slice %arg6[%dma_wait3A_46, %dma_wait3A_58, %dma_wait3A_59] : memref<6x128x128xf32, #tpu.memory_space<vmem>> -> memref<1x128x128xf32, #tpu.memory_space<vmem>>
    %dma_wait3A_61 = tpu.memref_squeeze %dma_wait3A_60 : memref<1x128x128xf32, #tpu.memory_space<vmem>> -> memref<128x128xf32, #tpu.memory_space<vmem>>
    tpu.wait_dma2 semaphore(%arg8 : memref<!tpu.dma_semaphore, #tpu.memory_space<semaphore_mem>>) src(%dma_wait3A_61 : memref<128x128xf32, #tpu.memory_space<vmem>>) dst(%dma_wait3A_57 : memref<128x128xf32, #tpu.memory_space<hbm>>)
    %dma_wait3A_62 = arith.constant 0 : i32
    %dma_wait3A_63 = arith.constant 48 : i32
    %dma_wait3A_64 = arith.constant 0 : i32
    %dma_wait3A_65 = arith.constant 0 : i32
    %dma_wait3A_66 = tpu.memref_slice %arg6[%dma_wait3A_62, %dma_wait3A_64, %dma_wait3A_65] : memref<6x128x128xf32, #tpu.memory_space<vmem>> -> memref<1x128x128xf32, #tpu.memory_space<vmem>>
    %dma_wait3A_67 = tpu.memref_squeeze %dma_wait3A_66 : memref<1x128x128xf32, #tpu.memory_space<vmem>> -> memref<128x128xf32, #tpu.memory_space<vmem>>
    %dma_wait3A_68 = arith.constant 0 : i32
    %dma_wait3A_69 = tpu.memref_slice %arg4[%dma_wait3A_63, %mul3A_2, %dma_wait3A_68] : memref<50x4096x128xf32, #tpu.memory_space<hbm>> -> memref<1x128x128xf32, #tpu.memory_space<hbm>>
    %dma_wait3A_70 = tpu.memref_squeeze %dma_wait3A_69 : memref<1x128x128xf32, #tpu.memory_space<hbm>> -> memref<128x128xf32, #tpu.memory_space<hbm>>
    %dma_wait3A_71 = arith.constant 0 : i32
    %dma_wait3A_72 = tpu.memref_slice %arg4[%dma_wait3A_63, %mul3A_2, %dma_wait3A_71] : memref<50x4096x128xf32, #tpu.memory_space<hbm>> -> memref<1x128x128xf32, #tpu.memory_space<hbm>>
    %dma_wait3A_73 = tpu.memref_squeeze %dma_wait3A_72 : memref<1x128x128xf32, #tpu.memory_space<hbm>> -> memref<128x128xf32, #tpu.memory_space<hbm>>
    %dma_wait3A_74 = arith.constant 0 : i32
    %dma_wait3A_75 = arith.constant 0 : i32
    %dma_wait3A_76 = tpu.memref_slice %arg6[%dma_wait3A_62, %dma_wait3A_74, %dma_wait3A_75] : memref<6x128x128xf32, #tpu.memory_space<vmem>> -> memref<1x128x128xf32, #tpu.memory_space<vmem>>
    %dma_wait3A_77 = tpu.memref_squeeze %dma_wait3A_76 : memref<1x128x128xf32, #tpu.memory_space<vmem>> -> memref<128x128xf32, #tpu.memory_space<vmem>>
    tpu.wait_dma2 semaphore(%arg8 : memref<!tpu.dma_semaphore, #tpu.memory_space<semaphore_mem>>) src(%dma_wait3A_77 : memref<128x128xf32, #tpu.memory_space<vmem>>) dst(%dma_wait3A_73 : memref<128x128xf32, #tpu.memory_space<hbm>>)
    %dma_wait3A_78 = arith.constant 1 : i32
    %dma_wait3A_79 = arith.constant 49 : i32
    %dma_wait3A_80 = arith.constant 0 : i32
    %dma_wait3A_81 = arith.constant 0 : i32
    %dma_wait3A_82 = tpu.memref_slice %arg6[%dma_wait3A_78, %dma_wait3A_80, %dma_wait3A_81] : memref<6x128x128xf32, #tpu.memory_space<vmem>> -> memref<1x128x128xf32, #tpu.memory_space<vmem>>
    %dma_wait3A_83 = tpu.memref_squeeze %dma_wait3A_82 : memref<1x128x128xf32, #tpu.memory_space<vmem>> -> memref<128x128xf32, #tpu.memory_space<vmem>>
    %dma_wait3A_84 = arith.constant 0 : i32
    %dma_wait3A_85 = tpu.memref_slice %arg4[%dma_wait3A_79, %mul3A_2, %dma_wait3A_84] : memref<50x4096x128xf32, #tpu.memory_space<hbm>> -> memref<1x128x128xf32, #tpu.memory_space<hbm>>
    %dma_wait3A_86 = tpu.memref_squeeze %dma_wait3A_85 : memref<1x128x128xf32, #tpu.memory_space<hbm>> -> memref<128x128xf32, #tpu.memory_space<hbm>>
    %dma_wait3A_87 = arith.constant 0 : i32
    %dma_wait3A_88 = tpu.memref_slice %arg4[%dma_wait3A_79, %mul3A_2, %dma_wait3A_87] : memref<50x4096x128xf32, #tpu.memory_space<hbm>> -> memref<1x128x128xf32, #tpu.memory_space<hbm>>
    %dma_wait3A_89 = tpu.memref_squeeze %dma_wait3A_88 : memref<1x128x128xf32, #tpu.memory_space<hbm>> -> memref<128x128xf32, #tpu.memory_space<hbm>>
    %dma_wait3A_90 = arith.constant 0 : i32
    %dma_wait3A_91 = arith.constant 0 : i32
    %dma_wait3A_92 = tpu.memref_slice %arg6[%dma_wait3A_78, %dma_wait3A_90, %dma_wait3A_91] : memref<6x128x128xf32, #tpu.memory_space<vmem>> -> memref<1x128x128xf32, #tpu.memory_space<vmem>>
    %dma_wait3A_93 = tpu.memref_squeeze %dma_wait3A_92 : memref<1x128x128xf32, #tpu.memory_space<vmem>> -> memref<128x128xf32, #tpu.memory_space<vmem>>
    tpu.wait_dma2 semaphore(%arg8 : memref<!tpu.dma_semaphore, #tpu.memory_space<semaphore_mem>>) src(%dma_wait3A_93 : memref<128x128xf32, #tpu.memory_space<vmem>>) dst(%dma_wait3A_89 : memref<128x128xf32, #tpu.memory_space<hbm>>)
    return
  }
}

</mosaic_0001>

<sc_bundles>
// kernel: kernel.3.cloned.1.call-start
scs
__scs_entry_jumppad:
0x0: {  	(pc) =	sbr.rel $0x88, $3  }
0x1: {  	(tag) =	ssettag $0x0;
	lr =	simm.s32 $0x1  }
0x2: {  	[smem:$0x3F9F] =	sst lr;
	_ =	strace $0xD0000000  }
0x3: {  	_ = 	snop  }
0x4: {  	_ = 	snop  }
0x5: {  	_ = 	snop  }
0x6: {  	_ = 	snop  }
0x7: {  	_ = 	snop  }
__scs_overlays_trampoline_lowered:
0x8: {  	[smem:$0x3FAE] =	sst s0  }
0x9: {  	[smem:$0x3FAF] =	sst s1  }
0xa: {  	[smem:$0x3FB0] =	sst s2  }
0xb: {  	[smem:$0x3FB1] =	sst s3  }
0xc: {  	[smem:$0x3FB2] =	sst s4  }
0xd: {  	[smem:$0x3FB3] =	sst s5  }
0xe: {  	[smem:$0x3FB4] =	sst s6  }
0xf: {  	[smem:$0x3FB5] =	sst s7  }
0x10: {  	[smem:$0x3FB6] =	sst s8  }
0x11: {  	[smem:$0x3FB7] =	sst s9;
	s0 =	simm.s32 @!p0 $0x0  }
0x12: {  	s1 =	sld [smem:$0x3F9D];
	s0 =	simm.s32 @p0 $0x1  }
0x13: {  	[smem:$0x3FB8] =	sst s0;
	s0 =	simm.s32 @!p1 $0x0  }
0x14: {  	s2 =	sld [smem:$0x3F9C];
	s0 =	simm.s32 @p1 $0x1  }
0x15: {  	[smem:$0x3FB9] =	sst s0;
	s0 =	simm.s32 @!p2 $0x0  }
0x16: {  	s3 =	sld [smem:$0x3FDB];
	s0 =	simm.s32 @p2 $0x1  }
0x17: {  	s4 =	simm.s32 $0x1BF5;
	[smem:$0x3FBB] =	sst s0  }
0x18: {  	s0 =	sld [smem:$0x3F9E];
	_ =	swait.ge [sflag:s4], $0x0  }
0x19: {  	s7 =	sld [smem:$0x3F9F]  }
0x1a: {  	s8 =	sadd.s32 $0xFFFFE003, lr  }
0x1b: {  	s9 =	sadd.s32 $0xFFFFFEF7, lr;
	s5 =	simm.s32 $0xFFFFFFFF;
	p2 =	slt.u32 s8, $0xFFFFF086  }
0x1c: {  	p1 =	slt.u32 s9, $0xF7A;
	s5 =	simm.s32 @!p2 $0x0  }
0x1d: {  	s5 =	simm.s32 @p1 $0x1;
	p0 =	seq.s32 s7, s2  }
0x1e: {  	s7 =	smul.u32 @!p0 $0xF7A, s2;
	p2 =	seq.s32 @!p0 s5, $0x0  }
0x1f: {  	s9 =	smul.u32 $0xF7A, s1;
	s8 =	simm.s32 @!p0 $0x1BF5;
	p2 =	por !p2, p0  }
0x20: {  	[sflag:s8] =	ssyncset.s32 @!p0 $0xFFFFF086;
	s6 =	sadd.s32 @!p0 s3, s7;
	s7 =	simm.s32 @!p0 $0x108  }
0x21: {  	s3 =	sadd.s32 s3, s9;
	s6 =	sadd.s32 @!p0 $0x88, s6;
	s7 =	simm.s32 @p2 $0x1082  }
0x22: {  	[simem:s7], [sflag:s8] =	dma.local @!p0 [hbm:s6], $0xF7A  }
0x23: {  	s9 =	sor.u32 $0xD0000000, s2;
	s6 =	simm.s32 $0x108;
	_ =	swait.ge @!p0 [sflag:s8], $0x0  }
0x24: {  	s3 =	sadd.s32 $0x88, s3;
	s6 =	simm.s32 @!p1 $0x1082;
	[sflag:s4] =	ssyncset.s32 $0xFFFFF086  }
0x25: {  	[simem:s6], [sflag:s4] =	dma.local [hbm:s3], $0xF7A  }
0x26: {  	[smem:$0x3F9F] =	sst s1;
	(tag) =	ssettag s2;
	_ =	strace s9  }
0x27: {  	s1 =	sld [smem:$0x3FAF]  }
0x28: {  	s2 =	sld [smem:$0x3FB0]  }
0x29: {  	s4 =	sld [smem:$0x3FB2]  }
0x2a: {  	p0 =	seq.s32 s5, $0x0;
	s5 =	sld [smem:$0x3FB3]  }
0x2b: {  	s6 =	sld [smem:$0x3FB4]  }
0x2c: {  	s7 =	sld [smem:$0x3FB5]  }
0x2d: {  	s3 =	simm.s32 $0x108;
	s8 =	sld [smem:$0x3FB6]  }
0x2e: {  	s3 =	simm.s32 @!p0 $0x1082;
	s9 =	sld [smem:$0x3FB7]  }
0x2f: {  	lr =	sadd.s32 s0, s3;
	s0 =	sld [smem:$0x3FAE]  }
0x30: {  	s3 =	sld [smem:$0x3FB1]  }
0x31: {  	[smem:$0x3FBA] =	sst s10  }
0x32: {  	s10 =	sld [smem:$0x3FB8];
	_ =	sdelay $0x3  }
0x33: {  	p0 =	seq.s32 s10, $0x1;
	s10 =	sld [smem:$0x3FBA];
	_ =	sdelay $0x3  }
0x34: {  	[smem:$0x3FBA] =	sst s10  }
0x35: {  	s10 =	sld [smem:$0x3FB9];
	_ =	sdelay $0x3  }
0x36: {  	p1 =	seq.s32 s10, $0x1;
	s10 =	sld [smem:$0x3FBA];
	_ =	sdelay $0x3  }
0x37: {  	[smem:$0x3FBA] =	sst s10  }
0x38: {  	s10 =	sld [smem:$0x3FBB]  }
0x39: {  	_ = 	snop;
	(pc) =	sbr.ind lr, $3  }
0x3a: {  	_ = 	snop  }
0x3b: {  	_ = 	snop  }
0x3c: {  	p2 =	seq.s32 s10, $0x1;
	s10 =	sld [smem:$0x3FBA]  }
0x3d: {  	_ =	shalt  }
0x3e: {  	_ =	shalt  }
0x3f: {  	_ =	shalt  }
0x40: {  	_ =	shalt  }
0x41: {  	_ =	shalt  }
0x42: {  	_ =	shalt  }
0x43: {  	_ =	shalt  }
0x44: {  	_ =	shalt  }
0x45: {  	_ =	shalt  }
0x46: {  	_ =	shalt  }
0x47: {  	_ =	shalt  }
0x48: {  	_ =	shalt  }
0x49: {  	_ =	shalt  }
0x4a: {  	_ =	shalt  }
0x4b: {  	_ =	shalt  }
0x4c: {  	_ =	shalt  }
0x4d: {  	_ =	shalt  }
0x4e: {  	_ =	shalt  }
0x4f: {  	_ =	shalt  }
0x50: {  	_ =	shalt  }
0x51: {  	_ =	shalt  }
0x52: {  	_ =	shalt  }
0x53: {  	_ =	shalt  }
0x54: {  	_ =	shalt  }
0x55: {  	_ =	shalt  }
0x56: {  	_ =	shalt  }
0x57: {  	_ =	shalt  }
0x58: {  	_ =	shalt  }
0x59: {  	_ =	shalt  }
0x5a: {  	_ =	shalt  }
0x5b: {  	_ =	shalt  }
0x5c: {  	_ =	shalt  }
0x5d: {  	_ =	shalt  }
0x5e: {  	_ =	shalt  }
0x5f: {  	_ =	shalt  }
0x60: {  	_ =	shalt  }
0x61: {  	_ =	shalt  }
0x62: {  	_ =	shalt  }
0x63: {  	_ =	shalt  }
0x64: {  	_ =	shalt  }
0x65: {  	_ =	shalt  }
0x66: {  	_ =	shalt  }
0x67: {  	_ =	shalt  }
0x68: {  	_ =	shalt  }
0x69: {  	_ =	shalt  }
0x6a: {  	_ =	shalt  }
0x6b: {  	_ =	shalt  }
0x6c: {  	_ =	shalt  }
0x6d: {  	_ =	shalt  }
0x6e: {  	_ =	shalt  }
0x6f: {  	_ =	shalt  }
0x70: {  	_ =	shalt  }
0x71: {  	_ =	shalt  }
0x72: {  	_ =	shalt  }
0x73: {  	_ =	shalt  }
0x74: {  	_ =	shalt  }
0x75: {  	_ =	shalt  }
0x76: {  	_ =	shalt  }
0x77: {  	_ =	shalt  }
0x78: {  	_ =	shalt  }
0x79: {  	_ =	shalt  }
0x7a: {  	_ =	shalt  }
0x7b: {  	_ =	shalt  }
0x7c: {  	_ =	shalt  }
0x7d: {  	_ =	shalt  }
0x7e: {  	_ =	shalt  }
0x7f: {  	_ =	shalt  }
0x80: {  	_ =	shalt  }
0x81: {  	_ =	shalt  }
0x82: {  	_ =	shalt  }
0x83: {  	_ =	shalt  }
0x84: {  	_ =	shalt  }
0x85: {  	_ =	shalt  }
0x86: {  	_ =	shalt  }
0x87: {  	_ =	shalt  }
.Lfunc_end0:
.L_simem_size_0:
called_computation_lowered:
.L_overlay_start_0:
0x88: {  	s2 =	sld [smem:$0x3FD9]  }
0x89: {  	s3 =	sld [smem:$0x3FFE];
	_ =	sdelay $0x1  }
0x8a: {  	s1 =	srdreg.scid  }
0x8b: {  	s0 =	sand.u32 $0x1, s1  }
0x8c: {  	s17 =	sshll.u32 s0, $0xA;
	s2 =	sadd.s32 s3, s2  }
0x8d: {  	s2 =	sadd.s32 s2, s17  }
0x8e: {  	[smem:$0x3FC6] =	sst s2  }
0x8f: {  	_ = 	snop  }
0x90: {  	s2 =	sld [smem:$0x3FC9]  }
0x91: {  	s18 =	sld [smem:$0x3FD0];
	(tm) =	ssettm $0x1  }
0x92: {  	s4 =	sld [smem:$0x3FFB];
	_ =	sdelay $0x3  }
0x93: {  	_ =	strace s4  }
0x94: {  	s4 =	sld [smem:$0x3FFC];
	_ =	sdelay $0x3  }
0x95: {  	_ =	strace s4  }
0x96: {  	s4 =	sld [smem:$0x3FFD];
	_ =	sdelay $0x3  }
0x97: {  	_ =	strace s4  }
0x98: {  	_ =	strace $0x8FFFFFFF  }
0x99: {  	s19 =	sld [smem:$0x3FDB];
	_ =	sdelay $0x1  }
0x9a: {  	s5 =	simm.s32 $_scs_section_size  }
0x9b: {  	s6 =	simm.s32 $_size__tile_overlayer_lowered;
	s7 =	simm.s32 $_tile_overlayer_lowered  }
0x9c: {  	s22 =	simm.s32 $0x1BFF;
	s21 =	sshll.u32 s7, $0x1;
	s4 =	sadd.s32 s5, s19  }
0x9d: {  	s8 =	simm.s32 $0x0;
	s20 =	sshll.u32 s6, $0x1;
	s6 =	sadd.s32 s21, s4  }
0x9e: {  	[timem:s8], [sflag:s22] =	dma.local [hbm:s6], s20  }
0x9f: {  	_ =	swait.ge [sflag:s22], s20  }
0xa0: {  	s5 =	ssub.s32 $0x0, s20;
	[sflag:s22] =	ssyncset.done $0x0  }
0xa1: {  	[sflag:s22] =	ssyncadd.s32 s5;
	_ =	sdelay $0x1  }
0xa2: {  	s23 =	simm.s32 $0x1B8B  }
0xa3: {  	_ =	swait.ge [sflag:s23], $0x1  }
0xa4: {  	[sflag:s23] =	ssyncset.done $0x0  }
0xa5: {  	s25 =	simm.s32 $0x1B8E;
	s24 =	sld [smem:$0x3FFE];
	[sflag:s23] =	ssyncadd.s32 $0xFFFFFFFF  }
0xa6: {  	s26 =	simm.s32 $execute0_lowered;
	[smem:$0x3FD2] =	sst s25  }
0xa7: {  	s6 =	sshll.u32 s26, $0x1;
	_ =	strace $0x80000046;
	[dreg:$0x1] =	wrdreg $0xFFFFFFFF  }
0xa8: {  	s28 =	simm.s32 $_size_execute0_lowered;
	s4 =	sadd.s32 s4, s6;
	[dreg:$0x0] =	wrdreg $0x0  }
0xa9: {  	s6 =	sshll.u32 s28, $0x1;
	[dreg:$0x2] =	wrdreg s4  }
0xaa: {  	[dreg:$0x3] =	wrdreg s6  }
0xab: {  	[dreg:$0x4] =	wrdreg $0xC0  }
0xac: {  	_ =	task [dreg:s8], $0x5FFFF  }
0xad: {  	[dreg:$0x1] =	wrdreg $0xFFFFFFFF  }
0xae: {  	[dreg:$0x0] =	wrdreg $0x60  }
0xaf: {  	[dreg:$0x2] =	wrdreg s2  }
0xb0: {  	[dreg:$0x3] =	wrdreg s24  }
0xb1: {  	[dreg:$0x4] =	wrdreg s18  }
0xb2: {  	[dreg:$0x5] =	wrdreg $0x9  }
0xb3: {  	_ =	task.clear_ibuf [dreg:s8], $0x6FFFF;
	_ =	strace $0x90000046  }
0xb4: {  	s29 =	simm.s32 $0x9;
	_ =	strace $0x80000048  }
0xb5: {  	_ =	swait.ge [sflag:s29], $0x1  }
0xb6: {  	[sflag:s29] =	ssyncadd.s32 $0xFFFFFFFF  }
0xb7: {  	_ =	strace $0x90000048  }
0xb8: {  	_ =	sfence  }
0xb9: {  	s30 =	sld [smem:$0x0];
	_ =	sdelay $0x2  }
0xba: {  	s31 =	sshll.u32 s1, $0xD;
	s1 =	sshrl.u32 s1, $0x2  }
0xbb: {  	s3 =	sand.u32 $0x4000, s31;
	s1 =	sadd.s32 s1, s30  }
0xbc: {  	s0 =	sor.u32 s3, s0;
	s1 =	sshll.u32 s1, $0x11  }
0xbd: {  	s0 =	sor.u32 s1, s0  }
0xbe: {  	s0 =	sadd.s32 $0x8F2B, s0  }
0xbf: {  	[sflag:s0] =	ssyncadd.remote.s32 $0x1  }
0xc0: {  	_ =	sfence.sel $0xFFFF  }
0xc1: {  	[dreg:$0x0] =	wrdreg $0xFFFFFFFF;
	(pc) =	sbr.abs _section_cstart, $3  }
0xc2: {  	[dreg:$0x1] =	wrdreg $0xFFFFFFFF  }
0xc3: {  	_ =	task.clear_ibuf [dreg:s8], $0x2FFFF;
	_ =	strace $0x9FFFFFFF  }
0xc4: {  	(tm) =	ssettm $0x7FFFFFFF  }
0xc5: {  	_ =	shalt  }
tec
execute0_lowered:
.L_overlay_start_1:
0x0: {  	(tag) =	ssettag $0x1  }
0x1: {  	s1 =	rddreg [dreg:$0x0]  }
0x2: {  	s4 =	rddreg [dreg:$0x1]  }
0x3: {  	s6 =	rddreg [dreg:$0x2];
	s3 =	srdreg.scid  }
0x4: {  	s0 =	rddreg [dreg:$0x3];
	s2 =	stileid.u32;
	s9 =	simm.s32 $0x3  }
0x5: {  	s10 =	simm.s32 $0x1C00;
	s11 =	simm.s32 $0x5C00;
	s12 =	simm.s32 $0x1  }
0x6: {  	s13 =	simm.s32 $0x2;
	s14 =	simm.s32 $0x0;
	s7 =	sand.u32 $0x1, s3  }
0x7: {  	s3 =	simm.s32 $0x0;
	s5 =	sshll.u32 s2, $0x5;
	s31 =	sshll.u32 s2, $0xC  }
0x8: {  	s8 =	sshll.u32 s7, $0x4;
	[smem:$0x7FF] =	sst s3;
	s29 =	ssub.s32 $0x2, s7  }
0x9: {  	s6 =	sadd.s32 s31, s6;
	s7 =	sshll.u32 s7, $0xB;
	s5 =	sor.u32 s8, s5  }
0xa: {  	_ =	strace $0x80000047;
	s30 =	sshrl.u32 s29, $0x1;
	s6 =	sadd.s32 s7, s6  }
0xb: {  	s7 =	simm.s32 $0x80;
	s4 =	sadd.s32 s5, s4;
	s5 =	ssub.s32 s29, s30  }
0xc: {  	s8 =	simm.s32 $0x1000;
	s4 =	sadd.s32 $0x400, s4;
	s5 =	smax.u32 s5, $0x1  }
.LBB2_1:
0xd: {  	[tilespmem:s3], [sflag:$0x3] =	stream.strided.gather [hbm4b:s4+s7], $0x1900, s8, s7, $0x38;
	[tilespmem:$0x19C00] =	vst v63  }
0xe: {  	_ =	swait.ge [sflag:s9], $0x1900  }
0xf: {  	[sflag:s9] =	ssyncset.done $0x0  }
0x10: {  	[sflag:s9] =	ssyncadd.s32 $0xFFFFE700  }
0x11: {  	[tilespmem:s10], [sflag:$0x1] =	stream.indirect.gather [hbm4b:s1+s7], $0x80, s3, s7, $0xb8;
	[tilespmem:$0x19C00] =	vst v63  }
0x12: {  	s15 =	simm.s32 $0x180;
	s16 =	smov.u32 s6;
	s18 =	simm.s32 $0x0  }
0x13: {  	[tilespmem:s11], [sflag:$0x1] =	stream.indirect.gather [hbm4b:s1+s7], $0x80, s7, s7, $0xb8;
	[tilespmem:$0x19C00] =	vst v63  }
.LBB2_2:
0x14: {  	p0 =	slt.u32 s18, $0x2  }
0x15: {  	s20 =	simm.s32 @!p0 $0x2  }
0x16: {  	_ =	swait.ge @!p0 [sflag:s20], $0x4000  }
0x17: {  	[sflag:s20] =	ssyncset.done @!p0 $0x0  }
0x18: {  	[sflag:s20] =	ssyncadd.s32 @!p0 $0xFFFFC000  }
0x19: {  	s19 =	smul.u32 $0xAB, s18;
	p1 =	seq.s32 @!p0 s18, $0x18;
	_ =	swait.ge @!p0 [sflag:s20], $0x4000  }
0x1a: {  	p1 =	por p0, !p1;
	[sflag:s20] =	ssyncset.done @!p0 $0x0  }
0x1b: {  	[sflag:s20] =	ssyncadd.s32 @!p0 $0xFFFFC000;
	s20 =	sadd.s32 @p1 $0xAB, s19  }
0x1c: {  	s20 =	sshrl.u32 @p1 s20, $0x9  }
0x1d: {  	s20 =	sand.u32 @p1 $0x7F, s20  }
0x1e: {  	s20 =	smul.u32 @p1 $0x3, s20  }
0x1f: {  	s17 =	sadd.s32 $0x1, s18  }
0x20: {  	s20 =	ssub.s32 @p1 s17, s20  }
0x21: {  	s20 =	sand.u32 @p1 $0xFF, s20  }
0x22: {  	s20 =	sshll.u32 @p1 s20, $0x11  }
0x23: {  	s19 =	sshrl.u32 s19, $0x9;
	s20 =	sshrl.u32 @p1 s20, $0x2  }
0x24: {  	s22 =	sadd.s32 @p1 $0xFFFFFF80, s15;
	s19 =	sand.u32 $0x7F, s19;
	s21 =	sadd.s32 @p1 $0x1C00, s20  }
0x25: {  	[tilespmem:s21], [sflag:$0x1] =	stream.indirect.gather @p1 [hbm4b:s1+s7], $0x80, s22, s7, $0xb8;
	[tilespmem:$0x19C00] =	vst v63  }
0x26: {  	s19 =	smul.u32 $0x3, s19;
	s20 =	sadd.s32 @p1 $0x5C00, s20  }
0x27: {  	[tilespmem:s20], [sflag:$0x1] =	stream.indirect.gather @p1 [hbm4b:s1+s7], $0x80, s15, s7, $0xb8;
	[tilespmem:$0x19C00] =	vst v63  }
0x28: {  	_ =	swait.ge [sflag:s12], $0x4000  }
0x29: {  	s29 =	ssub.s32 s18, s19;
	[sflag:s12] =	ssyncset.done $0x0  }
0x2a: {  	s18 =	sand.u32 $0xFF, s29;
	[sflag:s12] =	ssyncadd.s32 $0xFFFFC000  }
0x2b: {  	s18 =	sshll.u32 s18, $0x11;
	_ =	swait.ge [sflag:s12], $0x4000  }
0x2c: {  	p0 =	sne.s32 s17, $0x19;
	s18 =	sshrl.u32 s18, $0x2;
	[sflag:s12] =	ssyncset.done $0x0  }
.Ltmp0:
0x2d: {  	s30 =	sadd.s32 $0x1C00, s18;
	[sflag:s12] =	ssyncadd.s32 $0xFFFFC000;
	(pc) =	sbr.rel @p0 .LBB2_2-.Ltmp0, $4  }
0x2e: {  	[hbm4b:s16+s3] =	stream.linear.scatter [tilespmem:s30], [sflag:$0x2], $0x4000, $0x38;
	[tilespmem:$0x19C00] =	vst v63  }
0x2f: {  	s31 =	sadd.s32 $0x10000, s16;
	s18 =	sadd.s32 $0x5C00, s18  }
0x30: {  	[hbm4b:s31+s3] =	stream.linear.scatter [tilespmem:s18], [sflag:$0x2], $0x4000, $0x38;
	[tilespmem:$0x19C00] =	vst v63  }
0x31: {  	s15 =	sadd.s32 $0x100, s15;
	s16 =	sadd.s32 $0x20000, s16;
	s18 =	smov.u32 s17  }
0x32: {  	_ =	swait.ge [sflag:s13], $0x4000  }
0x33: {  	[sflag:s13] =	ssyncset.done $0x0  }
0x34: {  	[sflag:s13] =	ssyncadd.s32 $0xFFFFC000  }
0x35: {  	_ =	swait.ge [sflag:s13], $0x4000  }
0x36: {  	[sflag:s13] =	ssyncset.done $0x0  }
0x37: {  	s14 =	sadd.s32 $0x1, s14;
	[sflag:s13] =	ssyncadd.s32 $0xFFFFC000  }
0x38: {  	p0 =	sne.s32 s14, s5;
	_ =	swait.ge [sflag:s13], $0x4000  }
.Ltmp1:
0x39: {  	[sflag:s13] =	ssyncset.done $0x0;
	(pc) =	sbr.rel @p0 .LBB2_1-.Ltmp1, $4  }
0x3a: {  	[sflag:s13] =	ssyncadd.s32 $0xFFFFC000  }
0x3b: {  	_ =	swait.ge [sflag:s13], $0x4000  }
0x3c: {  	[sflag:s13] =	ssyncset.done $0x0  }
0x3d: {  	[sflag:s13] =	ssyncadd.s32 $0xFFFFC000  }
0x3e: {  	_ =	sfence.sel $0x180000  }
0x3f: {  	[bflag:$0x0] =	sbarrier.arrive $0xFFFF  }
0x40: {  	p0 =	sne.s32 s2, $0x0;
	_ =	strace $0x90000047  }
0x41: {  	s0 =	sadd.s32 @!p0 $0x100000, s0;
	[bflag:$0x2] =	sbarrier.arrive $0xFFFF  }
0x42: {  	[sflag:s0] =	ssyncadd.tile.s32 @!p0 $0x1;
	_ =	shalt  }
.Lfunc_end2:
_tile_overlayer_lowered:
.L_overlay_start_2:
0x43: {  	(tag) =	ssettag $0x2  }
0x44: {  	s0 =	rddreg [dreg:$0x0];
	s2 =	stileid.u32  }
0x45: {  	s1 =	rddreg [dreg:$0x1];
	p0 =	sne.s32 s2, $0x0  }
0x46: {  	s3 =	rddreg [dreg:$0x2];
	[bflag:$0x3] =	sbarrier.arrive $0xFFFF;
	s2 =	simm.s32 @!p0 $0x1C03  }
0x47: {  	[timem:s3], [sflag:s2] =	dma.local @!p0 [hbm:s0], s1  }
0x48: {  	s0 =	simm.s32 @!p0 $0x3  }
0x49: {  	_ =	swait.ge @!p0 [sflag:s0], s1  }
0x4a: {  	s1 =	ssub.s32 @!p0 $0x0, s1;
	[sflag:s0] =	ssyncset.done @!p0 $0x0  }
0x4b: {  	[sflag:s0] =	ssyncadd.s32 @!p0 s1  }
0x4c: {  	[bflag:$0x3] =	sbarrier.arrive $0xFFFF  }
0x4d: {  	_ =	shalt  }

</sc_bundles>
